<compile_context>
chip_gen: v7x
topology: tpu7x:2x2x1
jax: 0.10.2.dev20260603
libtpu: 0.0.44.dev20260713+nightly
codegen_flags: <defaults>
</compile_context>

<pallas_src>
import functools

import jax
import jax.numpy as jnp
from jax import lax
from jax.experimental import pallas as pl
from jax.experimental.pallas import tpu as pltpu
from jax.experimental.pallas import tpu_sc as plsc

_B = 4
_L = 8192
_NC = 1
_NS = 16
_NW = _NC * _NS
_CHUNK = _B * _L // _NW
_WPR = _L // _CHUNK
_LANES = 16

_mesh = plsc.VectorSubcoreMesh(core_axis_name="c", subcore_axis_name="s",
                               num_cores=1)


@functools.partial(
    pl.kernel,
    mesh=_mesh,
    out_type=jax.ShapeDtypeStruct((_B, _L), jnp.float32),
    scratch_types=[
        pltpu.VMEM((_CHUNK,), jnp.float32),
        pltpu.VMEM((_CHUNK,), jnp.float32),
        pltpu.SemaphoreType.DMA,
        pltpu.SemaphoreType.DMA,
    ],
)
def _pos_add_sc(x_hbm, pos_hbm, out_hbm, x_v, pos_v, sem_x, sem_p):
    wid = lax.axis_index("s") * _NC + lax.axis_index("c")
    row = wid // _WPR
    col = (wid % _WPR) * _CHUNK
    cp_x = pltpu.async_copy(x_hbm.at[row, pl.ds(col, _CHUNK)], x_v, sem_x)
    cp_p = pltpu.async_copy(pos_hbm.at[pl.ds(col, _CHUNK)], pos_v, sem_p)
    cp_x.wait()
    cp_p.wait()

    @plsc.parallel_loop(0, _CHUNK, _LANES, unroll=8)
    def _(i):
        sl = pl.ds(i, _LANES)
        x_v[sl] = x_v[sl] + pos_v[sl]

    pltpu.sync_copy(x_v, out_hbm.at[row, pl.ds(col, _CHUNK)])


def kernel(x, pos_table):
    return _pos_add_sc(x, pos_table.reshape(-1))

# --- scband reference (transcript-rebuilt; emitter-appended) ---
"""Pipeline reference for scband-learnable-positional-encoding-22299470201445 (READ-ONLY COPY).

The authoritative reference and input builder live on the scoring server;
editing this copy changes nothing except your own understanding.
"""

import jax, jax.numpy as jnp
import numpy as np

MAX_LEN = 8192
B = 4
L = 8192

def setup_inputs(seed: int = 0) -> dict:
    key = jax.random.key(seed)
    k1, k2 = jax.random.split(key)
    x = jax.random.normal(k1, (B, L), dtype=jnp.float32)
    # nn.Embedding(max_len, 1) weight, default init N(0,1)
    pos_table = jax.random.normal(k2, (MAX_LEN, 1), dtype=jnp.float32)
    return {"x": x, "pos_table": pos_table}

def reference(x, pos_table):
    Bx, Lx = x.shape
    positions = jnp.broadcast_to(jnp.arange(Lx, dtype=jnp.int64 if jax.config.jax_enable_x64 else jnp.int32)[None, :], (Bx, Lx))
    pos_embed = jnp.take(pos_table, positions, axis=0)  # [B, L, 1]
    pos_embed = jnp.squeeze(pos_embed, axis=-1)          # [B, L]
    return x + pos_embed

if __name__ == "__main__":
    import jax
    _d = setup_inputs()
    print(jax.jit(kernel)(*tuple(_d.values())))

</pallas_src>

<mosaic_0001>
#map = affine_map<(d0, d1) -> (0, 0)>
#map1 = affine_map<(d0, d1) -> (0)>
module attributes {stable_mosaic.version = 14 : i64} {
  func.func @_pos_add_sc(%arg0: i32, %arg1: i32, %arg2: memref<4x8192xf32, #tpu.memory_space<hbm>>, %arg3: memref<8192xf32, #tpu.memory_space<hbm>>, %arg4: memref<4x8192xf32, #tpu.memory_space<hbm>>, %arg5: memref<2048xf32, #tpu.memory_space<vmem>>, %arg6: memref<2048xf32, #tpu.memory_space<vmem>>, %arg7: memref<!tpu.dma_semaphore, #tpu.memory_space<semaphore_mem>>, %arg8: memref<!tpu.dma_semaphore, #tpu.memory_space<semaphore_mem>>) attributes {dimension_semantics = [#tpu.dimension_semantics<core_parallel>, #tpu.dimension_semantics<subcore_parallel>], iteration_bounds = array<i64: 1, 16>, scalar_prefetch = 0 : i64, scratch_operands = 4 : i64, tpu.core_type = #tpu.core_type<sc_vector_subcore>, window_params = [{transform_indices = #map}, {transform_indices = #map1}, {transform_indices = #map}]} {
    %mul3A = arith.constant 1 : i32
    %mul3A_0 = arith.muli %arg1, %mul3A : i32
    %add3A = arith.addi %mul3A_0, %arg0 : i32
    %jit3A = arith.constant 4 : i32
    %div3A = arith.divsi %add3A, %jit3A : i32
    %sign3A = arith.constant 0 : i32
    %sign3A_1 = arith.cmpi sgt, %add3A, %sign3A : i32
    %sign3A_2 = arith.extui %sign3A_1 : i1 to i32
    %sign3A_3 = arith.constant 0 : i32
    %sign3A_4 = arith.cmpi slt, %add3A, %sign3A_3 : i32
    %sign3A_5 = arith.extui %sign3A_4 : i1 to i32
    %sign3A_6 = arith.subi %sign3A_2, %sign3A_5 : i32
    %sign3A_7 = arith.constant 0 : i32
    %sign3A_8 = arith.cmpi sgt, %jit3A, %sign3A_7 : i32
    %sign3A_9 = arith.extui %sign3A_8 : i1 to i32
    %sign3A_10 = arith.constant 0 : i32
    %sign3A_11 = arith.cmpi slt, %jit3A, %sign3A_10 : i32
    %sign3A_12 = arith.extui %sign3A_11 : i1 to i32
    %sign3A_13 = arith.subi %sign3A_9, %sign3A_12 : i32
    %ne3A = arith.cmpi ne, %sign3A_6, %sign3A_13 : i32
    %rem3A = arith.remsi %add3A, %jit3A : i32
    %ne3A_14 = arith.constant 0 : i32
    %ne3A_15 = arith.cmpi ne, %rem3A, %ne3A_14 : i32
    %and3A = arith.andi %ne3A, %ne3A_15 : i1
    %sub3A = arith.constant 1 : i32
    %sub3A_16 = arith.subi %div3A, %sub3A : i32
    %select_n3A = arith.select %and3A, %sub3A_16, %div3A : i32
    %jit3A_17 = arith.constant 4 : i32
    %eq3A = arith.constant 0 : i32
    %eq3A_18 = arith.cmpi eq, %jit3A_17, %eq3A : i32
    %jit3A_19 = arith.constant 1 : i32
    %select_n3A_20 = arith.select %eq3A_18, %jit3A_19, %jit3A_17 : i32
    %rem3A_21 = arith.remsi %add3A, %select_n3A_20 : i32
    %ne3A_22 = arith.constant 0 : i32
    %ne3A_23 = arith.cmpi ne, %rem3A_21, %ne3A_22 : i32
    %lt3A = arith.constant 0 : i32
    %lt3A_24 = arith.cmpi slt, %rem3A_21, %lt3A : i32
    %lt3A_25 = arith.constant 0 : i32
    %lt3A_26 = arith.cmpi slt, %select_n3A_20, %lt3A_25 : i32
    %ne3A_27 = arith.xori %lt3A_24, %lt3A_26 : i1
    %and3A_28 = arith.andi %ne3A_27, %ne3A_23 : i1
    %add3A_29 = arith.addi %rem3A_21, %select_n3A_20 : i32
    %select_n3A_30 = arith.select %and3A_28, %add3A_29, %rem3A_21 : i32
    %mul3A_31 = arith.constant 2048 : i32
    %mul3A_32 = arith.muli %select_n3A_30, %mul3A_31 : i32
    %dma_start3A = tpu.memref_slice %arg2[%select_n3A, %mul3A_32] : memref<4x8192xf32, #tpu.memory_space<hbm>> -> memref<1x2048xf32, #tpu.memory_space<hbm>>
    %dma_start3A_33 = tpu.memref_squeeze %dma_start3A : memref<1x2048xf32, #tpu.memory_space<hbm>> -> memref<2048xf32, #tpu.memory_space<hbm>>
    %dma_start3A_34 = tpu.memref_slice %arg2[%select_n3A, %mul3A_32] : memref<4x8192xf32, #tpu.memory_space<hbm>> -> memref<1x2048xf32, #tpu.memory_space<hbm>>
    %dma_start3A_35 = tpu.memref_squeeze %dma_start3A_34 : memref<1x2048xf32, #tpu.memory_space<hbm>> -> memref<2048xf32, #tpu.memory_space<hbm>>
    tpu.enqueue_dma source(%dma_start3A_35 : memref<2048xf32, #tpu.memory_space<hbm>>) target(%arg5 : memref<2048xf32, #tpu.memory_space<vmem>>) target_semaphore(%arg7 : memref<!tpu.dma_semaphore, #tpu.memory_space<semaphore_mem>>)
    %dma_start3A_36 = tpu.memref_slice %arg3[%mul3A_32] : memref<8192xf32, #tpu.memory_space<hbm>> -> memref<2048xf32, #tpu.memory_space<hbm>>
    %dma_start3A_37 = tpu.memref_slice %arg3[%mul3A_32] : memref<8192xf32, #tpu.memory_space<hbm>> -> memref<2048xf32, #tpu.memory_space<hbm>>
    tpu.enqueue_dma source(%dma_start3A_37 : memref<2048xf32, #tpu.memory_space<hbm>>) target(%arg6 : memref<2048xf32, #tpu.memory_space<vmem>>) target_semaphore(%arg8 : memref<!tpu.dma_semaphore, #tpu.memory_space<semaphore_mem>>)
    %dma_wait3A = tpu.memref_slice %arg2[%select_n3A, %mul3A_32] : memref<4x8192xf32, #tpu.memory_space<hbm>> -> memref<1x2048xf32, #tpu.memory_space<hbm>>
    %dma_wait3A_38 = tpu.memref_squeeze %dma_wait3A : memref<1x2048xf32, #tpu.memory_space<hbm>> -> memref<2048xf32, #tpu.memory_space<hbm>>
    %dma_wait3A_39 = tpu.memref_slice %arg2[%select_n3A, %mul3A_32] : memref<4x8192xf32, #tpu.memory_space<hbm>> -> memref<1x2048xf32, #tpu.memory_space<hbm>>
    %dma_wait3A_40 = tpu.memref_squeeze %dma_wait3A_39 : memref<1x2048xf32, #tpu.memory_space<hbm>> -> memref<2048xf32, #tpu.memory_space<hbm>>
    tpu.wait_dma2 semaphore(%arg7 : memref<!tpu.dma_semaphore, #tpu.memory_space<semaphore_mem>>) src(%dma_wait3A_40 : memref<2048xf32, #tpu.memory_space<hbm>>) dst(%arg5 : memref<2048xf32, #tpu.memory_space<vmem>>)
    %dma_wait3A_41 = tpu.memref_slice %arg3[%mul3A_32] : memref<8192xf32, #tpu.memory_space<hbm>> -> memref<2048xf32, #tpu.memory_space<hbm>>
    %dma_wait3A_42 = tpu.memref_slice %arg3[%mul3A_32] : memref<8192xf32, #tpu.memory_space<hbm>> -> memref<2048xf32, #tpu.memory_space<hbm>>
    tpu.wait_dma2 semaphore(%arg8 : memref<!tpu.dma_semaphore, #tpu.memory_space<semaphore_mem>>) src(%dma_wait3A_42 : memref<2048xf32, #tpu.memory_space<hbm>>) dst(%arg6 : memref<2048xf32, #tpu.memory_space<vmem>>)
    %parallel_loop3A = arith.constant 0 : i32
    %parallel_loop3A_43 = arith.constant 2048 : i32
    %parallel_loop3A_44 = arith.constant 16 : i32
    scf.for %parallel_loop3A_45 = %parallel_loop3A to %parallel_loop3A_43 step %parallel_loop3A_44  : i32 {
      %parallel_loop3A_46 = arith.index_cast %parallel_loop3A_45 : i32 to index
      %parallel_loop3A_47 = tpu.vector_load %arg5[%parallel_loop3A_46] {strides = array<i32>} : memref<2048xf32, #tpu.memory_space<vmem>>, vector<16xf32>,
      %parallel_loop3A_48 = vector.shape_cast %parallel_loop3A_47 : vector<16xf32> to vector<16xf32>
      %parallel_loop3A_49 = arith.index_cast %parallel_loop3A_45 : i32 to index
      %parallel_loop3A_50 = tpu.vector_load %arg6[%parallel_loop3A_49] {strides = array<i32>} : memref<2048xf32, #tpu.memory_space<vmem>>, vector<16xf32>,
      %parallel_loop3A_51 = vector.shape_cast %parallel_loop3A_50 : vector<16xf32> to vector<16xf32>
      %parallel_loop3A_52 = arith.addf %parallel_loop3A_48, %parallel_loop3A_51 : vector<16xf32>
      %parallel_loop3A_53 = arith.index_cast %parallel_loop3A_45 : i32 to index
      %parallel_loop3A_54 = tpu.vector_load %arg5[%parallel_loop3A_53] {strides = array<i32>} : memref<2048xf32, #tpu.memory_space<vmem>>, vector<16xf32>,
      %parallel_loop3A_55 = vector.shape_cast %parallel_loop3A_54 : vector<16xf32> to vector<16xf32>
      %parallel_loop3A_56 = vector.shape_cast %parallel_loop3A_52 : vector<16xf32> to vector<16xf32>
      tpu.vector_store %arg5[%parallel_loop3A_53], %parallel_loop3A_56 {strides = array<i32>} : memref<2048xf32, #tpu.memory_space<vmem>>, vector<16xf32>,
    } {sc.loop_unroll_factor = 8 : i64, sc.parallel_access}
    "tpu.region"() ({
      %run_scoped3A = tpu.sem_alloc : memref<!tpu.dma_semaphore, #tpu.memory_space<semaphore_mem>>
      %dma_start3A_45 = tpu.memref_slice %arg4[%select_n3A, %mul3A_32] : memref<4x8192xf32, #tpu.memory_space<hbm>> -> memref<1x2048xf32, #tpu.memory_space<hbm>>
      %dma_start3A_46 = tpu.memref_squeeze %dma_start3A_45 : memref<1x2048xf32, #tpu.memory_space<hbm>> -> memref<2048xf32, #tpu.memory_space<hbm>>
      %dma_start3A_47 = tpu.memref_slice %arg4[%select_n3A, %mul3A_32] : memref<4x8192xf32, #tpu.memory_space<hbm>> -> memref<1x2048xf32, #tpu.memory_space<hbm>>
      %dma_start3A_48 = tpu.memref_squeeze %dma_start3A_47 : memref<1x2048xf32, #tpu.memory_space<hbm>> -> memref<2048xf32, #tpu.memory_space<hbm>>
      tpu.enqueue_dma source(%arg5 : memref<2048xf32, #tpu.memory_space<vmem>>) target(%dma_start3A_48 : memref<2048xf32, #tpu.memory_space<hbm>>) target_semaphore(%run_scoped3A : memref<!tpu.dma_semaphore, #tpu.memory_space<semaphore_mem>>)
      %dma_wait3A_49 = tpu.memref_slice %arg4[%select_n3A, %mul3A_32] : memref<4x8192xf32, #tpu.memory_space<hbm>> -> memref<1x2048xf32, #tpu.memory_space<hbm>>
      %dma_wait3A_50 = tpu.memref_squeeze %dma_wait3A_49 : memref<1x2048xf32, #tpu.memory_space<hbm>> -> memref<2048xf32, #tpu.memory_space<hbm>>
      %dma_wait3A_51 = tpu.memref_slice %arg4[%select_n3A, %mul3A_32] : memref<4x8192xf32, #tpu.memory_space<hbm>> -> memref<1x2048xf32, #tpu.memory_space<hbm>>
      %dma_wait3A_52 = tpu.memref_squeeze %dma_wait3A_51 : memref<1x2048xf32, #tpu.memory_space<hbm>> -> memref<2048xf32, #tpu.memory_space<hbm>>
      tpu.wait_dma2 semaphore(%run_scoped3A : memref<!tpu.dma_semaphore, #tpu.memory_space<semaphore_mem>>) src(%arg5 : memref<2048xf32, #tpu.memory_space<vmem>>) dst(%dma_wait3A_52 : memref<2048xf32, #tpu.memory_space<hbm>>)
      tpu.yield
    }) : () -> ()
    return
  }
}

</mosaic_0001>

<sc_bundles>
// kernel: kernel.3.cloned.1.call-start
scs
__scs_entry_jumppad:
0x0: {  	(pc) =	sbr.rel $0x88, $3  }
0x1: {  	(tag) =	ssettag $0x0;
	lr =	simm.s32 $0x1  }
0x2: {  	[smem:$0x3F9F] =	sst lr;
	_ =	strace $0xD0000000  }
0x3: {  	_ = 	snop  }
0x4: {  	_ = 	snop  }
0x5: {  	_ = 	snop  }
0x6: {  	_ = 	snop  }
0x7: {  	_ = 	snop  }
__scs_overlays_trampoline_lowered:
0x8: {  	[smem:$0x3FAE] =	sst s0  }
0x9: {  	[smem:$0x3FAF] =	sst s1  }
0xa: {  	[smem:$0x3FB0] =	sst s2  }
0xb: {  	[smem:$0x3FB1] =	sst s3  }
0xc: {  	[smem:$0x3FB2] =	sst s4  }
0xd: {  	[smem:$0x3FB3] =	sst s5  }
0xe: {  	[smem:$0x3FB4] =	sst s6  }
0xf: {  	[smem:$0x3FB5] =	sst s7  }
0x10: {  	[smem:$0x3FB6] =	sst s8  }
0x11: {  	[smem:$0x3FB7] =	sst s9;
	s0 =	simm.s32 @!p0 $0x0  }
0x12: {  	s1 =	sld [smem:$0x3F9D];
	s0 =	simm.s32 @p0 $0x1  }
0x13: {  	[smem:$0x3FB8] =	sst s0;
	s0 =	simm.s32 @!p1 $0x0  }
0x14: {  	s2 =	sld [smem:$0x3F9C];
	s0 =	simm.s32 @p1 $0x1  }
0x15: {  	[smem:$0x3FB9] =	sst s0;
	s0 =	simm.s32 @!p2 $0x0  }
0x16: {  	s3 =	sld [smem:$0x3FDB];
	s0 =	simm.s32 @p2 $0x1  }
0x17: {  	s4 =	simm.s32 $0x1BF5;
	[smem:$0x3FBB] =	sst s0  }
0x18: {  	s0 =	sld [smem:$0x3F9E];
	_ =	swait.ge [sflag:s4], $0x0  }
0x19: {  	s7 =	sld [smem:$0x3F9F]  }
0x1a: {  	s8 =	sadd.s32 $0xFFFFE003, lr  }
0x1b: {  	s9 =	sadd.s32 $0xFFFFFEF7, lr;
	s5 =	simm.s32 $0xFFFFFFFF;
	p2 =	slt.u32 s8, $0xFFFFF086  }
0x1c: {  	p1 =	slt.u32 s9, $0xF7A;
	s5 =	simm.s32 @!p2 $0x0  }
0x1d: {  	s5 =	simm.s32 @p1 $0x1;
	p0 =	seq.s32 s7, s2  }
0x1e: {  	s7 =	smul.u32 @!p0 $0xF7A, s2;
	p2 =	seq.s32 @!p0 s5, $0x0  }
0x1f: {  	s9 =	smul.u32 $0xF7A, s1;
	s8 =	simm.s32 @!p0 $0x1BF5;
	p2 =	por !p2, p0  }
0x20: {  	[sflag:s8] =	ssyncset.s32 @!p0 $0xFFFFF086;
	s6 =	sadd.s32 @!p0 s3, s7;
	s7 =	simm.s32 @!p0 $0x108  }
0x21: {  	s3 =	sadd.s32 s3, s9;
	s6 =	sadd.s32 @!p0 $0x88, s6;
	s7 =	simm.s32 @p2 $0x1082  }
0x22: {  	[simem:s7], [sflag:s8] =	dma.local @!p0 [hbm:s6], $0xF7A  }
0x23: {  	s9 =	sor.u32 $0xD0000000, s2;
	s6 =	simm.s32 $0x108;
	_ =	swait.ge @!p0 [sflag:s8], $0x0  }
0x24: {  	s3 =	sadd.s32 $0x88, s3;
	s6 =	simm.s32 @!p1 $0x1082;
	[sflag:s4] =	ssyncset.s32 $0xFFFFF086  }
0x25: {  	[simem:s6], [sflag:s4] =	dma.local [hbm:s3], $0xF7A  }
0x26: {  	[smem:$0x3F9F] =	sst s1;
	(tag) =	ssettag s2;
	_ =	strace s9  }
0x27: {  	s1 =	sld [smem:$0x3FAF]  }
0x28: {  	s2 =	sld [smem:$0x3FB0]  }
0x29: {  	s4 =	sld [smem:$0x3FB2]  }
0x2a: {  	p0 =	seq.s32 s5, $0x0;
	s5 =	sld [smem:$0x3FB3]  }
0x2b: {  	s6 =	sld [smem:$0x3FB4]  }
0x2c: {  	s7 =	sld [smem:$0x3FB5]  }
0x2d: {  	s3 =	simm.s32 $0x108;
	s8 =	sld [smem:$0x3FB6]  }
0x2e: {  	s3 =	simm.s32 @!p0 $0x1082;
	s9 =	sld [smem:$0x3FB7]  }
0x2f: {  	lr =	sadd.s32 s0, s3;
	s0 =	sld [smem:$0x3FAE]  }
0x30: {  	s3 =	sld [smem:$0x3FB1]  }
0x31: {  	[smem:$0x3FBA] =	sst s10  }
0x32: {  	s10 =	sld [smem:$0x3FB8];
	_ =	sdelay $0x3  }
0x33: {  	p0 =	seq.s32 s10, $0x1;
	s10 =	sld [smem:$0x3FBA];
	_ =	sdelay $0x3  }
0x34: {  	[smem:$0x3FBA] =	sst s10  }
0x35: {  	s10 =	sld [smem:$0x3FB9];
	_ =	sdelay $0x3  }
0x36: {  	p1 =	seq.s32 s10, $0x1;
	s10 =	sld [smem:$0x3FBA];
	_ =	sdelay $0x3  }
0x37: {  	[smem:$0x3FBA] =	sst s10  }
0x38: {  	s10 =	sld [smem:$0x3FBB]  }
0x39: {  	_ = 	snop;
	(pc) =	sbr.ind lr, $3  }
0x3a: {  	_ = 	snop  }
0x3b: {  	_ = 	snop  }
0x3c: {  	p2 =	seq.s32 s10, $0x1;
	s10 =	sld [smem:$0x3FBA]  }
0x3d: {  	_ =	shalt  }
0x3e: {  	_ =	shalt  }
0x3f: {  	_ =	shalt  }
0x40: {  	_ =	shalt  }
0x41: {  	_ =	shalt  }
0x42: {  	_ =	shalt  }
0x43: {  	_ =	shalt  }
0x44: {  	_ =	shalt  }
0x45: {  	_ =	shalt  }
0x46: {  	_ =	shalt  }
0x47: {  	_ =	shalt  }
0x48: {  	_ =	shalt  }
0x49: {  	_ =	shalt  }
0x4a: {  	_ =	shalt  }
0x4b: {  	_ =	shalt  }
0x4c: {  	_ =	shalt  }
0x4d: {  	_ =	shalt  }
0x4e: {  	_ =	shalt  }
0x4f: {  	_ =	shalt  }
0x50: {  	_ =	shalt  }
0x51: {  	_ =	shalt  }
0x52: {  	_ =	shalt  }
0x53: {  	_ =	shalt  }
0x54: {  	_ =	shalt  }
0x55: {  	_ =	shalt  }
0x56: {  	_ =	shalt  }
0x57: {  	_ =	shalt  }
0x58: {  	_ =	shalt  }
0x59: {  	_ =	shalt  }
0x5a: {  	_ =	shalt  }
0x5b: {  	_ =	shalt  }
0x5c: {  	_ =	shalt  }
0x5d: {  	_ =	shalt  }
0x5e: {  	_ =	shalt  }
0x5f: {  	_ =	shalt  }
0x60: {  	_ =	shalt  }
0x61: {  	_ =	shalt  }
0x62: {  	_ =	shalt  }
0x63: {  	_ =	shalt  }
0x64: {  	_ =	shalt  }
0x65: {  	_ =	shalt  }
0x66: {  	_ =	shalt  }
0x67: {  	_ =	shalt  }
0x68: {  	_ =	shalt  }
0x69: {  	_ =	shalt  }
0x6a: {  	_ =	shalt  }
0x6b: {  	_ =	shalt  }
0x6c: {  	_ =	shalt  }
0x6d: {  	_ =	shalt  }
0x6e: {  	_ =	shalt  }
0x6f: {  	_ =	shalt  }
0x70: {  	_ =	shalt  }
0x71: {  	_ =	shalt  }
0x72: {  	_ =	shalt  }
0x73: {  	_ =	shalt  }
0x74: {  	_ =	shalt  }
0x75: {  	_ =	shalt  }
0x76: {  	_ =	shalt  }
0x77: {  	_ =	shalt  }
0x78: {  	_ =	shalt  }
0x79: {  	_ =	shalt  }
0x7a: {  	_ =	shalt  }
0x7b: {  	_ =	shalt  }
0x7c: {  	_ =	shalt  }
0x7d: {  	_ =	shalt  }
0x7e: {  	_ =	shalt  }
0x7f: {  	_ =	shalt  }
0x80: {  	_ =	shalt  }
0x81: {  	_ =	shalt  }
0x82: {  	_ =	shalt  }
0x83: {  	_ =	shalt  }
0x84: {  	_ =	shalt  }
0x85: {  	_ =	shalt  }
0x86: {  	_ =	shalt  }
0x87: {  	_ =	shalt  }
.Lfunc_end0:
.L_simem_size_0:
called_computation_lowered:
.L_overlay_start_0:
0x88: {  	s0 =	sld [smem:$0x3FD9]  }
0x89: {  	s1 =	sld [smem:$0x3FFE];
	_ =	sdelay $0x3  }
0x8a: {  	s0 =	sadd.s32 s1, s0  }
0x8b: {  	[smem:$0x3FC6] =	sst s0  }
0x8c: {  	_ = 	snop  }
0x8d: {  	s0 =	sld [smem:$0x3FC9]  }
0x8e: {  	s17 =	sld [smem:$0x3FC8]  }
0x8f: {  	s2 =	sld [smem:$0x3FD0];
	(tm) =	ssettm $0x1  }
0x90: {  	s3 =	sld [smem:$0x3FFB];
	_ =	sdelay $0x3  }
0x91: {  	_ =	strace s3  }
0x92: {  	s3 =	sld [smem:$0x3FFC];
	_ =	sdelay $0x3  }
0x93: {  	_ =	strace s3  }
0x94: {  	s3 =	sld [smem:$0x3FFD];
	_ =	sdelay $0x3  }
0x95: {  	_ =	strace s3  }
0x96: {  	_ =	strace $0x8FFFFFFF  }
0x97: {  	s18 =	sld [smem:$0x3FDB];
	_ =	sdelay $0x1  }
0x98: {  	s4 =	simm.s32 $_scs_section_size  }
0x99: {  	s5 =	simm.s32 $_size__tile_overlayer_lowered;
	s6 =	simm.s32 $_tile_overlayer_lowered  }
0x9a: {  	s21 =	simm.s32 $0x1BFF;
	s20 =	sshll.u32 s6, $0x1;
	s3 =	sadd.s32 s4, s18  }
0x9b: {  	s7 =	simm.s32 $0x0;
	s19 =	sshll.u32 s5, $0x1;
	s5 =	sadd.s32 s20, s3  }
0x9c: {  	[timem:s7], [sflag:s21] =	dma.local [hbm:s5], s19  }
0x9d: {  	_ =	swait.ge [sflag:s21], s19  }
0x9e: {  	s4 =	ssub.s32 $0x0, s19;
	[sflag:s21] =	ssyncset.done $0x0  }
0x9f: {  	[sflag:s21] =	ssyncadd.s32 s4;
	_ =	sdelay $0x1  }
0xa0: {  	s22 =	simm.s32 $0x1B8B  }
0xa1: {  	_ =	swait.ge [sflag:s22], $0x1  }
0xa2: {  	[sflag:s22] =	ssyncset.done $0x0  }
0xa3: {  	s23 =	simm.s32 $0x1B8E;
	[sflag:s22] =	ssyncadd.s32 $0xFFFFFFFF  }
0xa4: {  	s24 =	simm.s32 $execute0_lowered;
	[smem:$0x3FD2] =	sst s23  }
0xa5: {  	s4 =	sshll.u32 s24, $0x1;
	_ =	strace $0x80000046;
	[dreg:$0x1] =	wrdreg $0xFFFFFFFF  }
0xa6: {  	s25 =	simm.s32 $_size_execute0_lowered;
	s3 =	sadd.s32 s3, s4;
	[dreg:$0x0] =	wrdreg $0x0  }
0xa7: {  	s4 =	sshll.u32 s25, $0x1;
	[dreg:$0x2] =	wrdreg s3  }
0xa8: {  	[dreg:$0x3] =	wrdreg s4  }
0xa9: {  	[dreg:$0x4] =	wrdreg $0xC0  }
0xaa: {  	_ =	task [dreg:s7], $0x5FFFF  }
0xab: {  	[dreg:$0x1] =	wrdreg $0xFFFFFFFF  }
0xac: {  	[dreg:$0x0] =	wrdreg $0x60  }
0xad: {  	[dreg:$0x2] =	wrdreg s0  }
0xae: {  	[dreg:$0x3] =	wrdreg s17  }
0xaf: {  	[dreg:$0x4] =	wrdreg s2  }
0xb0: {  	[dreg:$0x5] =	wrdreg $0x9  }
0xb1: {  	_ =	task.clear_ibuf [dreg:s7], $0x6FFFF;
	_ =	strace $0x90000046  }
0xb2: {  	s26 =	simm.s32 $0x9;
	_ =	strace $0x80000048  }
0xb3: {  	_ =	swait.ge [sflag:s26], $0x1  }
0xb4: {  	[sflag:s26] =	ssyncadd.s32 $0xFFFFFFFF  }
0xb5: {  	_ =	strace $0x90000048  }
0xb6: {  	_ =	sfence  }
0xb7: {  	s28 =	sld [smem:$0x0];
	_ =	sdelay $0x1  }
0xb8: {  	s29 =	srdreg.scid  }
0xb9: {  	s30 =	sshll.u32 s29, $0xD;
	s31 =	sshrl.u32 s29, $0x2  }
0xba: {  	s1 =	sand.u32 $0x1, s29;
	s2 =	sand.u32 $0x4000, s30;
	s0 =	sadd.s32 s31, s28  }
0xbb: {  	s1 =	sor.u32 s2, s1;
	s0 =	sshll.u32 s0, $0x11  }
0xbc: {  	s0 =	sor.u32 s0, s1  }
0xbd: {  	s0 =	sadd.s32 $0x8F2B, s0  }
0xbe: {  	[sflag:s0] =	ssyncadd.remote.s32 $0x1  }
0xbf: {  	_ =	sfence.sel $0xFFFF  }
0xc0: {  	[dreg:$0x0] =	wrdreg $0xFFFFFFFF;
	(pc) =	sbr.abs _section_cstart, $3  }
0xc1: {  	[dreg:$0x1] =	wrdreg $0xFFFFFFFF  }
0xc2: {  	_ =	task.clear_ibuf [dreg:s7], $0x2FFFF;
	_ =	strace $0x9FFFFFFF  }
0xc3: {  	(tm) =	ssettm $0x7FFFFFFF  }
tec
execute0_lowered:
.L_overlay_start_1:
0x0: {  	(tag) =	ssettag $0x1  }
0x1: {  	s4 =	rddreg [dreg:$0x0]  }
0x2: {  	s5 =	rddreg [dreg:$0x1]  }
0x3: {  	s2 =	rddreg [dreg:$0x2]  }
0x4: {  	s0 =	rddreg [dreg:$0x3];
	s1 =	stileid.u32  }
0x5: {  	s6 =	simm.s32 $0x0;
	s7 =	sand.u32 $0x3, s1;
	s3 =	sshll.u32 s1, $0x2  }
0x6: {  	s26 =	simm.s32 $0x80;
	s8 =	sshll.u32 s7, $0xA;
	s3 =	sand.u32 $0x30, s3  }
0x7: {  	s9 =	simm.s32 $0x200;
	[smem:$0x7FF] =	sst s6;
	s3 =	sor.u32 s3, s8  }
0x8: {  	_ =	strace $0x80000047;
	s28 =	sshll.u32 s7, $0x8;
	s4 =	sadd.s32 s4, s3  }
0x9: {  	[tilespmem:s6], [sflag:$0x1] =	stream.strided.gather [hbm4b:s4+s26], $0x800, s9, s26, $0x38;
	[tilespmem:$0x1000] =	vst v63  }
0xa: {  	s29 =	simm.s32 $0x800;
	s30 =	simm.s32 $0x1;
	s4 =	sadd.s32 s5, s28  }
0xb: {  	[tilespmem:s29], [sflag:$0x2] =	stream.linear.gather [hbm4b:s4+s6], $0x800, $0x38;
	[tilespmem:$0x1000] =	vst v63  }
0xc: {  	_ =	swait.ge [sflag:s30], $0x800  }
0xd: {  	[sflag:s30] =	ssyncset.done $0x0  }
0xe: {  	s31 =	simm.s32 $0x2;
	[sflag:s30] =	ssyncadd.s32 $0xFFFFF800  }
0xf: {  	_ =	swait.ge [sflag:s31], $0x800  }
0x10: {  	[sflag:s31] =	ssyncset.done $0x0  }
0x11: {  	s4 =	simm.s32 $0x40;
	[sflag:s31] =	ssyncadd.s32 $0xFFFFF800  }
0x12: {  	s5 =	simm.s32 $0x840;
	v1 =	vld [tilespmem:s4+$0x30]  }
0x13: {  	v2 =	vld [tilespmem:s5+$0x30]  }
0x14: {  	v0 =	vld [tilespmem:s5+$0xFFFFFFC0]  }
0x15: {  	v3 =	vld [tilespmem:s4+$0xFFFFFFD0]  }
0x16: {  	v4 =	vld [tilespmem:s5+$0xFFFFFFD0]  }
0x17: {  	v5 =	vld [tilespmem:s4+$0xFFFFFFE0]  }
0x18: {  	v6 =	vld [tilespmem:s5+$0xFFFFFFE0]  }
0x19: {  	v7 =	vld [tilespmem:s4+$0xFFFFFFF0]  }
0x1a: {  	v8 =	vld [tilespmem:s5+$0xFFFFFFF0]  }
0x1b: {  	v9 =	vld [tilespmem:s4+$0x0]  }
0x1c: {  	v10 =	vld [tilespmem:s5+$0x0];
	v2 =	vadd.f32 v2, v1  }
0x1d: {  	v4 =	vadd.f32 v4, v3;
	v1 =	vld [tilespmem:s4+$0x10]  }
0x1e: {  	v5 =	vadd.f32 v6, v5;
	v3 =	vld [tilespmem:s5+$0x10];
	[tilespmem:s4+$0x30] =	vst v2  }
0x1f: {  	v6 =	vadd.f32 v8, v7;
	[tilespmem:s4+$0xFFFFFFD0] =	vst v4;
	v2 =	vld [tilespmem:s4+$0x20]  }
0x20: {  	[tilespmem:s4+$0xFFFFFFE0] =	vst v5;
	v5 =	vld [tilespmem:s5+$0x20]  }
0x21: {  	s7 =	simm.s32 $0xC0;
	s6 =	simm.s32 $0x0;
	v4 =	vld [tilespmem:s4+$0xFFFFFFC0];
	[tilespmem:s4+$0xFFFFFFF0] =	vst v6;
	v6 =	vadd.f32 v10, v9  }
.LBB2_1:
0x22: {  	v7 =	vld [tilespmem:s7+$0x30];
	s5 =	sadd.s32 $0x80, s5  }
0x23: {  	s6 =	sadd.s32 $0x80, s6;
	v8 =	vld [tilespmem:s5+$0x30];
	[tilespmem:s4+$0x0] =	vst v6;
	v1 =	vadd.f32 v3, v1  }
0x24: {  	p0 =	slt.u32 s6, $0x780;
	v3 =	vld [tilespmem:s5+$0xFFFFFFC0]  }
0x25: {  	v6 =	vld [tilespmem:s7+$0xFFFFFFD0];
	[tilespmem:s4+$0x10] =	vst v1;
	v1 =	vadd.f32 v5, v2  }
0x26: {  	v2 =	vld [tilespmem:s5+$0xFFFFFFD0];
	v9 =	vadd.f32 v0, v4  }
0x27: {  	v4 =	vld [tilespmem:s7+$0xFFFFFFE0];
	[tilespmem:s4+$0x20] =	vst v1  }
0x28: {  	v1 =	vld [tilespmem:s5+$0xFFFFFFE0];
	v5 =	vadd.f32 v8, v7;
	[tilespmem:s4+$0xFFFFFFC0] =	vst v9;
	s4 =	smov.u32 s7  }
0x29: {  	v7 =	vld [tilespmem:s7+$0xFFFFFFF0];
	v0 =	vmov v3  }
0x2a: {  	v8 =	vld [tilespmem:s5+$0xFFFFFFF0];
	[tilespmem:s7+$0x30] =	vst v5  }
0x2b: {  	v2 =	vadd.f32 v2, v6;
	v6 =	vld [tilespmem:s7+$0x0]  }
0x2c: {  	v9 =	vld [tilespmem:s5+$0x0]  }
.Ltmp0:
0x2d: {  	[tilespmem:s7+$0xFFFFFFD0] =	vst v2;
	v2 =	vadd.f32 v1, v4;
	v1 =	vld [tilespmem:s7+$0x10];
	(pc) =	sbr.rel @p0 .LBB2_1-.Ltmp0, $4  }
0x2e: {  	v3 =	vld [tilespmem:s5+$0x10]  }
0x2f: {  	[tilespmem:s7+$0xFFFFFFE0] =	vst v2;
	v7 =	vadd.f32 v8, v7;
	v2 =	vld [tilespmem:s7+$0x20]  }
0x30: {  	v5 =	vld [tilespmem:s5+$0x20]  }
0x31: {  	s7 =	sadd.s32 $0x80, s7;
	v4 =	vld [tilespmem:s4+$0xFFFFFFC0];
	[tilespmem:s4+$0xFFFFFFF0] =	vst v7;
	v6 =	vadd.f32 v9, v6  }
0x32: {  	_ =	sdelay $0x1  }
0x33: {  	v1 =	vadd.f32 v3, v1  }
0x34: {  	[tilespmem:s4+$0x0] =	vst v6;
	v2 =	vadd.f32 v5, v2  }
0x35: {  	[tilespmem:s4+$0x10] =	vst v1;
	v0 =	vadd.f32 v0, v4  }
0x36: {  	s2 =	sadd.s32 s2, s3;
	s29 =	simm.s32 $0x80;
	[tilespmem:s4+$0x20] =	vst v2  }
0x37: {  	s30 =	simm.s32 $0x200;
	s5 =	simm.s32 $0x0;
	s31 =	simm.s32 $0x3;
	[tilespmem:s4+$0xFFFFFFC0] =	vst v0  }
0x38: {  	[hbm4b:s2+s29] =	stream.strided.scatter [tilespmem:s5], [sflag:$0x3], $0x800, s30, s29, $0x38;
	[tilespmem:$0x1000] =	vst v63  }
0x39: {  	_ =	swait.ge [sflag:s31], $0x800  }
0x3a: {  	[sflag:s31] =	ssyncset.done $0x0  }
0x3b: {  	[sflag:s31] =	ssyncadd.s32 $0xFFFFF800  }
0x3c: {  	_ =	sfence.sel $0x180000  }
0x3d: {  	[bflag:$0x0] =	sbarrier.arrive $0xFFFF  }
0x3e: {  	p0 =	sne.s32 s1, $0x0;
	_ =	strace $0x90000047  }
0x3f: {  	s0 =	sadd.s32 @!p0 $0x100000, s0;
	[bflag:$0x2] =	sbarrier.arrive $0xFFFF  }
0x40: {  	[sflag:s0] =	ssyncadd.tile.s32 @!p0 $0x1;
	_ =	shalt  }
.Lfunc_end2:
_tile_overlayer_lowered:
.L_overlay_start_2:
0x41: {  	(tag) =	ssettag $0x2  }
0x42: {  	s0 =	rddreg [dreg:$0x0];
	s2 =	stileid.u32  }
0x43: {  	s1 =	rddreg [dreg:$0x1];
	p0 =	sne.s32 s2, $0x0  }
0x44: {  	s3 =	rddreg [dreg:$0x2];
	[bflag:$0x3] =	sbarrier.arrive $0xFFFF;
	s2 =	simm.s32 @!p0 $0x1C03  }
0x45: {  	[timem:s3], [sflag:s2] =	dma.local @!p0 [hbm:s0], s1  }
0x46: {  	s0 =	simm.s32 @!p0 $0x3  }
0x47: {  	_ =	swait.ge @!p0 [sflag:s0], s1  }
0x48: {  	s1 =	ssub.s32 @!p0 $0x0, s1;
	[sflag:s0] =	ssyncset.done @!p0 $0x0  }
0x49: {  	[sflag:s0] =	ssyncadd.s32 @!p0 s1  }
0x4a: {  	[bflag:$0x3] =	sbarrier.arrive $0xFFFF  }
0x4b: {  	_ =	shalt  }

</sc_bundles>
